<compile_context>
chip_gen: v7x
topology: tpu7x:2x2x1
jax: 0.10.2.dev20260603
libtpu: 0.0.44.dev20260713+nightly
codegen_flags: <defaults>
</compile_context>

<pallas_src>
import functools

import jax
import jax.numpy as jnp
from jax import lax
from jax.experimental import pallas as pl
from jax.experimental.pallas import tpu as pltpu
from jax.experimental.pallas import tpu_sc as plsc

_NUM_CORES = 2
_NUM_SUBCORES = 16
_NUM_WORKERS = _NUM_CORES * _NUM_SUBCORES

_TILESPMEM_BYTES = 131071 * 4

_TEC_FRAC16 = 0


def _pick_chunks(rows_per_worker, row_bytes):
    max_rows = max(8, (_TILESPMEM_BYTES // 2) // row_bytes // 8 * 8)
    big = min(rows_per_worker, max_rows)
    chunks = [big] * (rows_per_worker // big)
    if rows_per_worker % big:
        chunks.append(rows_per_worker % big)
    return chunks


@functools.cache
def _make_sc_broadcast(batch, seq, d_model, dtype):
    rows_per_worker = seq // _NUM_WORKERS
    chunks = _pick_chunks(rows_per_worker, d_model * dtype.itemsize)
    starts = [sum(chunks[:i]) for i in range(len(chunks))]
    nchunks = len(chunks)
    buf_rows = max(chunks)

    mesh = plsc.VectorSubcoreMesh(
        core_axis_name="c",
        subcore_axis_name="s",
        num_cores=_NUM_CORES,
        num_subcores=_NUM_SUBCORES,
    )

    @functools.partial(
        pl.kernel,
        out_type=jax.ShapeDtypeStruct((batch * seq, d_model), dtype),
        mesh=mesh,
        scratch_types=[
            pltpu.VMEM((buf_rows, d_model), dtype),
            pltpu.VMEM((buf_rows, d_model), dtype),
            pltpu.SemaphoreType.DMA,
            pltpu.SemaphoreType.DMA,
            pltpu.SemaphoreType.DMA,
            pltpu.SemaphoreType.DMA,
        ],
    )
    def pe_broadcast(table_hbm, out_hbm, buf0, buf1, isem0, isem1, osem0, osem1):
        wid = lax.axis_index("s") * _NUM_CORES + lax.axis_index("c")
        base = wid * rows_per_worker
        bufs = (buf0, buf1)
        isems = (isem0, isem1)
        osems = (osem0, osem1)

        in_copies = [None] * nchunks
        out_copies = [[] for _ in range(nchunks)]

        def start_in(i):
            in_copies[i] = pltpu.async_copy(
                table_hbm.at[pl.ds(base + starts[i], chunks[i])],
                bufs[i % 2].at[pl.ds(0, chunks[i])],
                isems[i % 2],
            )

        start_in(0)
        for i in range(nchunks):
            in_copies[i].wait()
            for b in range(batch):
                out_copies[i].append(
                    pltpu.async_copy(
                        bufs[i % 2].at[pl.ds(0, chunks[i])],
                        out_hbm.at[pl.ds(b * seq + base + starts[i], chunks[i])],
                        osems[i % 2],
                    )
                )
            if i + 1 < nchunks:
                if i >= 1:
                    for c in out_copies[i - 1]:
                        c.wait()
                start_in(i + 1)
        if nchunks >= 2:
            for c in out_copies[nchunks - 2]:
                c.wait()
        for c in out_copies[nchunks - 1]:
            c.wait()

    return pe_broadcast


def _chunk_rows(total_rows, budget_bytes, row_bytes):
    max_rows = max(8, (budget_bytes // 2) // row_bytes // 8 * 8)
    big = min(total_rows, max_rows)
    chunks = [big] * (total_rows // big)
    if total_rows % big:
        chunks.append(total_rows % big)
    return chunks


def _copy_pipeline(table_hbm, out_hbm, batch, seq, base, chunks, bufs, isems, osems):
    starts = [sum(chunks[:i]) for i in range(len(chunks))]
    nchunks = len(chunks)
    in_copies = [None] * nchunks
    out_copies = [[] for _ in range(nchunks)]

    def start_in(i):
        in_copies[i] = pltpu.async_copy(
            table_hbm.at[pl.ds(base + starts[i], chunks[i])],
            bufs[i % 2].at[pl.ds(0, chunks[i])],
            isems[i % 2],
        )

    start_in(0)
    for i in range(nchunks):
        in_copies[i].wait()
        for b in range(batch):
            out_copies[i].append(
                pltpu.async_copy(
                    bufs[i % 2].at[pl.ds(0, chunks[i])],
                    out_hbm.at[pl.ds(b * seq + base + starts[i], chunks[i])],
                    osems[i % 2],
                )
            )
        if i + 1 < nchunks:
            if i >= 1:
                for c in out_copies[i - 1]:
                    c.wait()
            start_in(i + 1)
    if nchunks >= 2:
        for c in out_copies[nchunks - 2]:
            c.wait()
    for c in out_copies[nchunks - 1]:
        c.wait()


@functools.cache
def _make_mpmd_broadcast(batch, seq, d_model, dtype):
    from jax._src.pallas import mpmd

    row_bytes = d_model * dtype.itemsize
    align = _NUM_WORKERS * 8
    tec_rows = max(align, seq * _TEC_FRAC16 // 16 // align * align)
    tec_rows = min(tec_rows, seq)
    scs_rows = seq - tec_rows
    tec_rpw = tec_rows // _NUM_WORKERS
    scs_rpc = scs_rows // _NUM_CORES
    tec_chunks = _chunk_rows(tec_rpw, _TILESPMEM_BYTES, row_bytes) if tec_rpw else []
    scs_chunks = _chunk_rows(scs_rpc, 4 * 1024 * 1024, row_bytes) if scs_rpc else []

    vec_mesh = plsc.VectorSubcoreMesh(
        core_axis_name="c",
        subcore_axis_name="s",
        num_cores=_NUM_CORES,
        num_subcores=_NUM_SUBCORES,
    )
    scs_mesh = plsc.ScalarSubcoreMesh(axis_name="c", num_cores=_NUM_CORES)

    def tec_fn(table_hbm, out_hbm):
        if not tec_chunks:
            return
        wid = lax.axis_index("s") * _NUM_CORES + lax.axis_index("c")
        base = wid * tec_rpw

        def body(buf0, buf1, isem0, isem1, osem0, osem1):
            _copy_pipeline(table_hbm, out_hbm, batch, seq, base, tec_chunks,
                           (buf0, buf1), (isem0, isem1), (osem0, osem1))

        pl.run_scoped(
            body,
            pltpu.VMEM((max(tec_chunks), d_model), dtype),
            pltpu.VMEM((max(tec_chunks), d_model), dtype),
            pltpu.SemaphoreType.DMA,
            pltpu.SemaphoreType.DMA,
            pltpu.SemaphoreType.DMA,
            pltpu.SemaphoreType.DMA,
        )

    def scs_fn(table_hbm, out_hbm):
        if not scs_chunks:
            return
        cid = lax.axis_index("c")
        base = tec_rows + cid * scs_rpc

        def body(osem):
            copies = []
            for b in range(batch):
                copies.append(
                    pltpu.async_copy(
                        table_hbm.at[pl.ds(base, scs_rpc)],
                        out_hbm.at[pl.ds(b * seq + base, scs_rpc)],
                        osem,
                    )
                )
            for c in copies:
                c.wait()

        pl.run_scoped(body, pltpu.SemaphoreType.DMA)

    return mpmd.mpmd_map(
        [(scs_mesh, scs_fn), (vec_mesh, tec_fn)],
        out_types=jax.ShapeDtypeStruct((batch * seq, d_model), dtype),
    )


def kernel(x, pos_embed_weight):
    batch, seq, d_model = x.shape
    assert seq % _NUM_WORKERS == 0, seq
    table = pos_embed_weight[:seq] if pos_embed_weight.shape[0] != seq else pos_embed_weight
    fn = _make_mpmd_broadcast(batch, seq, d_model, jnp.dtype(table.dtype))
    out_flat = fn(table)
    return out_flat.reshape(batch, seq, d_model)

# --- scband reference (transcript-rebuilt; emitter-appended) ---
"""Pipeline reference for scband-learnable-positional-encoding-54683523612961 (READ-ONLY COPY).

The authoritative reference and input builder live on the scoring server;
editing this copy changes nothing except your own understanding.
"""

import jax, jax.numpy as jnp
import numpy as np

D_MODEL = 1024
MAX_LEN = 8192

def setup_inputs(seed: int = 0) -> dict:
    key = jax.random.key(seed)
    k_x, k_tab = jax.random.split(key)
    x = jax.random.normal(k_x, (4, 8192, 1024), dtype=jnp.float32)
    # nn.Embedding default init: N(0, 1)
    pos_embed_weight = jax.random.normal(k_tab, (MAX_LEN, D_MODEL), dtype=jnp.float32)
    return {"x": x, "pos_embed_weight": pos_embed_weight}

def reference(x, pos_embed_weight):
    seq_len = x.shape[1]
    positions = jnp.arange(seq_len, dtype=jnp.int32)
    pe = jnp.take(pos_embed_weight, positions, axis=0)  # [S, D]
    out = jnp.broadcast_to(pe[None, :, :], x.shape)       # expand_as(x)
    return out

if __name__ == "__main__":
    import jax
    _d = setup_inputs()
    print(jax.jit(kernel)(*tuple(_d.values())))

</pallas_src>

<mosaic_0001>
#map = affine_map<(d0) -> (0, 0)>
#map1 = affine_map<(d0, d1) -> (0, 0)>
module attributes {stable_mosaic.version = 14 : i64} {
  func.func @scs_fn(%arg0: i32, %arg1: memref<8192x1024xf32, #tpu.memory_space<hbm>>, %arg2: memref<32768x1024xf32, #tpu.memory_space<hbm>>) attributes {dimension_semantics = [#tpu.dimension_semantics<core_parallel>], iteration_bounds = array<i64: 2>, scalar_prefetch = 0 : i64, scratch_operands = 0 : i64, tpu.core_type = #tpu.core_type<sc_scalar_subcore>, window_params = [{transform_indices = #map}, {transform_indices = #map}]} {
    %mul3A = arith.constant 3968 : i32
    %mul3A_0 = arith.muli %arg0, %mul3A : i32
    %add3A = arith.constant 256 : i32
    %add3A_1 = arith.addi %add3A, %mul3A_0 : i32
    "tpu.region"() ({
      %run_scoped3A = tpu.sem_alloc : memref<!tpu.dma_semaphore, #tpu.memory_space<semaphore_mem>>
      %add3A_2 = arith.constant 0 : i32
      %add3A_3 = arith.addi %add3A_2, %add3A_1 : i32
      %dma_start3A = arith.constant 0 : i32
      %dma_start3A_4 = tpu.memref_slice %arg2[%add3A_3, %dma_start3A] : memref<32768x1024xf32, #tpu.memory_space<hbm>> -> memref<3968x1024xf32, #tpu.memory_space<hbm>>
      %dma_start3A_5 = arith.constant 0 : i32
      %dma_start3A_6 = tpu.memref_slice %arg1[%add3A_1, %dma_start3A_5] : memref<8192x1024xf32, #tpu.memory_space<hbm>> -> memref<3968x1024xf32, #tpu.memory_space<hbm>>
      tpu.enqueue_dma source(%dma_start3A_6 : memref<3968x1024xf32, #tpu.memory_space<hbm>>) target(%dma_start3A_4 : memref<3968x1024xf32, #tpu.memory_space<hbm>>) target_semaphore(%run_scoped3A : memref<!tpu.dma_semaphore, #tpu.memory_space<semaphore_mem>>)
      %add3A_7 = arith.constant 8192 : i32
      %add3A_8 = arith.addi %add3A_7, %add3A_1 : i32
      %dma_start3A_9 = arith.constant 0 : i32
      %dma_start3A_10 = tpu.memref_slice %arg2[%add3A_8, %dma_start3A_9] : memref<32768x1024xf32, #tpu.memory_space<hbm>> -> memref<3968x1024xf32, #tpu.memory_space<hbm>>
      %dma_start3A_11 = arith.constant 0 : i32
      %dma_start3A_12 = tpu.memref_slice %arg1[%add3A_1, %dma_start3A_11] : memref<8192x1024xf32, #tpu.memory_space<hbm>> -> memref<3968x1024xf32, #tpu.memory_space<hbm>>
      tpu.enqueue_dma source(%dma_start3A_12 : memref<3968x1024xf32, #tpu.memory_space<hbm>>) target(%dma_start3A_10 : memref<3968x1024xf32, #tpu.memory_space<hbm>>) target_semaphore(%run_scoped3A : memref<!tpu.dma_semaphore, #tpu.memory_space<semaphore_mem>>)
      %add3A_13 = arith.constant 16384 : i32
      %add3A_14 = arith.addi %add3A_13, %add3A_1 : i32
      %dma_start3A_15 = arith.constant 0 : i32
      %dma_start3A_16 = tpu.memref_slice %arg2[%add3A_14, %dma_start3A_15] : memref<32768x1024xf32, #tpu.memory_space<hbm>> -> memref<3968x1024xf32, #tpu.memory_space<hbm>>
      %dma_start3A_17 = arith.constant 0 : i32
      %dma_start3A_18 = tpu.memref_slice %arg1[%add3A_1, %dma_start3A_17] : memref<8192x1024xf32, #tpu.memory_space<hbm>> -> memref<3968x1024xf32, #tpu.memory_space<hbm>>
      tpu.enqueue_dma source(%dma_start3A_18 : memref<3968x1024xf32, #tpu.memory_space<hbm>>) target(%dma_start3A_16 : memref<3968x1024xf32, #tpu.memory_space<hbm>>) target_semaphore(%run_scoped3A : memref<!tpu.dma_semaphore, #tpu.memory_space<semaphore_mem>>)
      %add3A_19 = arith.constant 24576 : i32
      %add3A_20 = arith.addi %add3A_19, %add3A_1 : i32
      %dma_start3A_21 = arith.constant 0 : i32
      %dma_start3A_22 = tpu.memref_slice %arg2[%add3A_20, %dma_start3A_21] : memref<32768x1024xf32, #tpu.memory_space<hbm>> -> memref<3968x1024xf32, #tpu.memory_space<hbm>>
      %dma_start3A_23 = arith.constant 0 : i32
      %dma_start3A_24 = tpu.memref_slice %arg1[%add3A_1, %dma_start3A_23] : memref<8192x1024xf32, #tpu.memory_space<hbm>> -> memref<3968x1024xf32, #tpu.memory_space<hbm>>
      tpu.enqueue_dma source(%dma_start3A_24 : memref<3968x1024xf32, #tpu.memory_space<hbm>>) target(%dma_start3A_22 : memref<3968x1024xf32, #tpu.memory_space<hbm>>) target_semaphore(%run_scoped3A : memref<!tpu.dma_semaphore, #tpu.memory_space<semaphore_mem>>)
      %dma_wait3A = arith.constant 0 : i32
      %dma_wait3A_25 = tpu.memref_slice %arg2[%add3A_3, %dma_wait3A] : memref<32768x1024xf32, #tpu.memory_space<hbm>> -> memref<3968x1024xf32, #tpu.memory_space<hbm>>
      %dma_wait3A_26 = arith.constant 0 : i32
      %dma_wait3A_27 = tpu.memref_slice %arg1[%add3A_1, %dma_wait3A_26] : memref<8192x1024xf32, #tpu.memory_space<hbm>> -> memref<3968x1024xf32, #tpu.memory_space<hbm>>
      tpu.wait_dma2 semaphore(%run_scoped3A : memref<!tpu.dma_semaphore, #tpu.memory_space<semaphore_mem>>) src(%dma_wait3A_27 : memref<3968x1024xf32, #tpu.memory_space<hbm>>) dst(%dma_wait3A_25 : memref<3968x1024xf32, #tpu.memory_space<hbm>>)
      %dma_wait3A_28 = arith.constant 0 : i32
      %dma_wait3A_29 = tpu.memref_slice %arg2[%add3A_8, %dma_wait3A_28] : memref<32768x1024xf32, #tpu.memory_space<hbm>> -> memref<3968x1024xf32, #tpu.memory_space<hbm>>
      %dma_wait3A_30 = arith.constant 0 : i32
      %dma_wait3A_31 = tpu.memref_slice %arg1[%add3A_1, %dma_wait3A_30] : memref<8192x1024xf32, #tpu.memory_space<hbm>> -> memref<3968x1024xf32, #tpu.memory_space<hbm>>
      tpu.wait_dma2 semaphore(%run_scoped3A : memref<!tpu.dma_semaphore, #tpu.memory_space<semaphore_mem>>) src(%dma_wait3A_31 : memref<3968x1024xf32, #tpu.memory_space<hbm>>) dst(%dma_wait3A_29 : memref<3968x1024xf32, #tpu.memory_space<hbm>>)
      %dma_wait3A_32 = arith.constant 0 : i32
      %dma_wait3A_33 = tpu.memref_slice %arg2[%add3A_14, %dma_wait3A_32] : memref<32768x1024xf32, #tpu.memory_space<hbm>> -> memref<3968x1024xf32, #tpu.memory_space<hbm>>
      %dma_wait3A_34 = arith.constant 0 : i32
      %dma_wait3A_35 = tpu.memref_slice %arg1[%add3A_1, %dma_wait3A_34] : memref<8192x1024xf32, #tpu.memory_space<hbm>> -> memref<3968x1024xf32, #tpu.memory_space<hbm>>
      tpu.wait_dma2 semaphore(%run_scoped3A : memref<!tpu.dma_semaphore, #tpu.memory_space<semaphore_mem>>) src(%dma_wait3A_35 : memref<3968x1024xf32, #tpu.memory_space<hbm>>) dst(%dma_wait3A_33 : memref<3968x1024xf32, #tpu.memory_space<hbm>>)
      %dma_wait3A_36 = arith.constant 0 : i32
      %dma_wait3A_37 = tpu.memref_slice %arg2[%add3A_20, %dma_wait3A_36] : memref<32768x1024xf32, #tpu.memory_space<hbm>> -> memref<3968x1024xf32, #tpu.memory_space<hbm>>
      %dma_wait3A_38 = arith.constant 0 : i32
      %dma_wait3A_39 = tpu.memref_slice %arg1[%add3A_1, %dma_wait3A_38] : memref<8192x1024xf32, #tpu.memory_space<hbm>> -> memref<3968x1024xf32, #tpu.memory_space<hbm>>
      tpu.wait_dma2 semaphore(%run_scoped3A : memref<!tpu.dma_semaphore, #tpu.memory_space<semaphore_mem>>) src(%dma_wait3A_39 : memref<3968x1024xf32, #tpu.memory_space<hbm>>) dst(%dma_wait3A_37 : memref<3968x1024xf32, #tpu.memory_space<hbm>>)
      tpu.yield
    }) : () -> ()
    return
  }
  func.func @tec_fn(%arg0: i32, %arg1: i32, %arg2: memref<8192x1024xf32, #tpu.memory_space<hbm>>, %arg3: memref<32768x1024xf32, #tpu.memory_space<hbm>>) attributes {dimension_semantics = [#tpu.dimension_semantics<core_parallel>, #tpu.dimension_semantics<subcore_parallel>], iteration_bounds = array<i64: 2, 16>, scalar_prefetch = 0 : i64, scratch_operands = 0 : i64, tpu.core_type = #tpu.core_type<sc_vector_subcore>, window_params = [{transform_indices = #map1}, {transform_indices = #map1}]} {
    %mul3A = arith.constant 2 : i32
    %mul3A_0 = arith.muli %arg1, %mul3A : i32
    %add3A = arith.addi %mul3A_0, %arg0 : i32
    %mul3A_1 = arith.constant 8 : i32
    %mul3A_2 = arith.muli %add3A, %mul3A_1 : i32
    "tpu.region"() ({
      %run_scoped3A = memref.alloca() : memref<8x1024xf32, #tpu.memory_space<vmem>>
      %run_scoped3A_3 = memref.alloca() : memref<8x1024xf32, #tpu.memory_space<vmem>>
      %run_scoped3A_4 = tpu.sem_alloc : memref<!tpu.dma_semaphore, #tpu.memory_space<semaphore_mem>>
      %run_scoped3A_5 = tpu.sem_alloc : memref<!tpu.dma_semaphore, #tpu.memory_space<semaphore_mem>>
      %run_scoped3A_6 = tpu.sem_alloc : memref<!tpu.dma_semaphore, #tpu.memory_space<semaphore_mem>>
      %run_scoped3A_7 = tpu.sem_alloc : memref<!tpu.dma_semaphore, #tpu.memory_space<semaphore_mem>>
      %add3A_8 = arith.constant 0 : i32
      %add3A_9 = arith.addi %mul3A_2, %add3A_8 : i32
      %dma_start3A = arith.constant 0 : i32
      %dma_start3A_10 = arith.constant 0 : i32
      %dma_start3A_11 = tpu.memref_slice %run_scoped3A[%dma_start3A, %dma_start3A_10] : memref<8x1024xf32, #tpu.memory_space<vmem>> -> memref<8x1024xf32, #tpu.memory_space<vmem>>
      %dma_start3A_12 = arith.constant 0 : i32
      %dma_start3A_13 = tpu.memref_slice %arg2[%add3A_9, %dma_start3A_12] : memref<8192x1024xf32, #tpu.memory_space<hbm>> -> memref<8x1024xf32, #tpu.memory_space<hbm>>
      %dma_start3A_14 = arith.constant 0 : i32
      %dma_start3A_15 = arith.constant 0 : i32
      %dma_start3A_16 = tpu.memref_slice %run_scoped3A[%dma_start3A_14, %dma_start3A_15] : memref<8x1024xf32, #tpu.memory_space<vmem>> -> memref<8x1024xf32, #tpu.memory_space<vmem>>
      %dma_start3A_17 = arith.constant 0 : i32
      %dma_start3A_18 = tpu.memref_slice %arg2[%add3A_9, %dma_start3A_17] : memref<8192x1024xf32, #tpu.memory_space<hbm>> -> memref<8x1024xf32, #tpu.memory_space<hbm>>
      tpu.enqueue_dma source(%dma_start3A_18 : memref<8x1024xf32, #tpu.memory_space<hbm>>) target(%dma_start3A_16 : memref<8x1024xf32, #tpu.memory_space<vmem>>) target_semaphore(%run_scoped3A_4 : memref<!tpu.dma_semaphore, #tpu.memory_space<semaphore_mem>>)
      %dma_wait3A = arith.constant 0 : i32
      %dma_wait3A_19 = arith.constant 0 : i32
      %dma_wait3A_20 = tpu.memref_slice %run_scoped3A[%dma_wait3A, %dma_wait3A_19] : memref<8x1024xf32, #tpu.memory_space<vmem>> -> memref<8x1024xf32, #tpu.memory_space<vmem>>
      %dma_wait3A_21 = arith.constant 0 : i32
      %dma_wait3A_22 = tpu.memref_slice %arg2[%add3A_9, %dma_wait3A_21] : memref<8192x1024xf32, #tpu.memory_space<hbm>> -> memref<8x1024xf32, #tpu.memory_space<hbm>>
      %dma_wait3A_23 = arith.constant 0 : i32
      %dma_wait3A_24 = arith.constant 0 : i32
      %dma_wait3A_25 = tpu.memref_slice %run_scoped3A[%dma_wait3A_23, %dma_wait3A_24] : memref<8x1024xf32, #tpu.memory_space<vmem>> -> memref<8x1024xf32, #tpu.memory_space<vmem>>
      %dma_wait3A_26 = arith.constant 0 : i32
      %dma_wait3A_27 = tpu.memref_slice %arg2[%add3A_9, %dma_wait3A_26] : memref<8192x1024xf32, #tpu.memory_space<hbm>> -> memref<8x1024xf32, #tpu.memory_space<hbm>>
      tpu.wait_dma2 semaphore(%run_scoped3A_4 : memref<!tpu.dma_semaphore, #tpu.memory_space<semaphore_mem>>) src(%dma_wait3A_27 : memref<8x1024xf32, #tpu.memory_space<hbm>>) dst(%dma_wait3A_25 : memref<8x1024xf32, #tpu.memory_space<vmem>>)
      %add3A_28 = arith.constant 0 : i32
      %add3A_29 = arith.addi %add3A_28, %mul3A_2 : i32
      %add3A_30 = arith.constant 0 : i32
      %add3A_31 = arith.addi %add3A_29, %add3A_30 : i32
      %dma_start3A_32 = arith.constant 0 : i32
      %dma_start3A_33 = arith.constant 0 : i32
      %dma_start3A_34 = tpu.memref_slice %run_scoped3A[%dma_start3A_32, %dma_start3A_33] : memref<8x1024xf32, #tpu.memory_space<vmem>> -> memref<8x1024xf32, #tpu.memory_space<vmem>>
      %dma_start3A_35 = arith.constant 0 : i32
      %dma_start3A_36 = tpu.memref_slice %arg3[%add3A_31, %dma_start3A_35] : memref<32768x1024xf32, #tpu.memory_space<hbm>> -> memref<8x1024xf32, #tpu.memory_space<hbm>>
      %dma_start3A_37 = arith.constant 0 : i32
      %dma_start3A_38 = tpu.memref_slice %arg3[%add3A_31, %dma_start3A_37] : memref<32768x1024xf32, #tpu.memory_space<hbm>> -> memref<8x1024xf32, #tpu.memory_space<hbm>>
      %dma_start3A_39 = arith.constant 0 : i32
      %dma_start3A_40 = arith.constant 0 : i32
      %dma_start3A_41 = tpu.memref_slice %run_scoped3A[%dma_start3A_39, %dma_start3A_40] : memref<8x1024xf32, #tpu.memory_space<vmem>> -> memref<8x1024xf32, #tpu.memory_space<vmem>>
      tpu.enqueue_dma source(%dma_start3A_41 : memref<8x1024xf32, #tpu.memory_space<vmem>>) target(%dma_start3A_38 : memref<8x1024xf32, #tpu.memory_space<hbm>>) target_semaphore(%run_scoped3A_6 : memref<!tpu.dma_semaphore, #tpu.memory_space<semaphore_mem>>)
      %add3A_42 = arith.constant 8192 : i32
      %add3A_43 = arith.addi %add3A_42, %mul3A_2 : i32
      %add3A_44 = arith.constant 0 : i32
      %add3A_45 = arith.addi %add3A_43, %add3A_44 : i32
      %dma_start3A_46 = arith.constant 0 : i32
      %dma_start3A_47 = arith.constant 0 : i32
      %dma_start3A_48 = tpu.memref_slice %run_scoped3A[%dma_start3A_46, %dma_start3A_47] : memref<8x1024xf32, #tpu.memory_space<vmem>> -> memref<8x1024xf32, #tpu.memory_space<vmem>>
      %dma_start3A_49 = arith.constant 0 : i32
      %dma_start3A_50 = tpu.memref_slice %arg3[%add3A_45, %dma_start3A_49] : memref<32768x1024xf32, #tpu.memory_space<hbm>> -> memref<8x1024xf32, #tpu.memory_space<hbm>>
      %dma_start3A_51 = arith.constant 0 : i32
      %dma_start3A_52 = tpu.memref_slice %arg3[%add3A_45, %dma_start3A_51] : memref<32768x1024xf32, #tpu.memory_space<hbm>> -> memref<8x1024xf32, #tpu.memory_space<hbm>>
      %dma_start3A_53 = arith.constant 0 : i32
      %dma_start3A_54 = arith.constant 0 : i32
      %dma_start3A_55 = tpu.memref_slice %run_scoped3A[%dma_start3A_53, %dma_start3A_54] : memref<8x1024xf32, #tpu.memory_space<vmem>> -> memref<8x1024xf32, #tpu.memory_space<vmem>>
      tpu.enqueue_dma source(%dma_start3A_55 : memref<8x1024xf32, #tpu.memory_space<vmem>>) target(%dma_start3A_52 : memref<8x1024xf32, #tpu.memory_space<hbm>>) target_semaphore(%run_scoped3A_6 : memref<!tpu.dma_semaphore, #tpu.memory_space<semaphore_mem>>)
      %add3A_56 = arith.constant 16384 : i32
      %add3A_57 = arith.addi %add3A_56, %mul3A_2 : i32
      %add3A_58 = arith.constant 0 : i32
      %add3A_59 = arith.addi %add3A_57, %add3A_58 : i32
      %dma_start3A_60 = arith.constant 0 : i32
      %dma_start3A_61 = arith.constant 0 : i32
      %dma_start3A_62 = tpu.memref_slice %run_scoped3A[%dma_start3A_60, %dma_start3A_61] : memref<8x1024xf32, #tpu.memory_space<vmem>> -> memref<8x1024xf32, #tpu.memory_space<vmem>>
      %dma_start3A_63 = arith.constant 0 : i32
      %dma_start3A_64 = tpu.memref_slice %arg3[%add3A_59, %dma_start3A_63] : memref<32768x1024xf32, #tpu.memory_space<hbm>> -> memref<8x1024xf32, #tpu.memory_space<hbm>>
      %dma_start3A_65 = arith.constant 0 : i32
      %dma_start3A_66 = tpu.memref_slice %arg3[%add3A_59, %dma_start3A_65] : memref<32768x1024xf32, #tpu.memory_space<hbm>> -> memref<8x1024xf32, #tpu.memory_space<hbm>>
      %dma_start3A_67 = arith.constant 0 : i32
      %dma_start3A_68 = arith.constant 0 : i32
      %dma_start3A_69 = tpu.memref_slice %run_scoped3A[%dma_start3A_67, %dma_start3A_68] : memref<8x1024xf32, #tpu.memory_space<vmem>> -> memref<8x1024xf32, #tpu.memory_space<vmem>>
      tpu.enqueue_dma source(%dma_start3A_69 : memref<8x1024xf32, #tpu.memory_space<vmem>>) target(%dma_start3A_66 : memref<8x1024xf32, #tpu.memory_space<hbm>>) target_semaphore(%run_scoped3A_6 : memref<!tpu.dma_semaphore, #tpu.memory_space<semaphore_mem>>)
      %add3A_70 = arith.constant 24576 : i32
      %add3A_71 = arith.addi %add3A_70, %mul3A_2 : i32
      %add3A_72 = arith.constant 0 : i32
      %add3A_73 = arith.addi %add3A_71, %add3A_72 : i32
      %dma_start3A_74 = arith.constant 0 : i32
      %dma_start3A_75 = arith.constant 0 : i32
      %dma_start3A_76 = tpu.memref_slice %run_scoped3A[%dma_start3A_74, %dma_start3A_75] : memref<8x1024xf32, #tpu.memory_space<vmem>> -> memref<8x1024xf32, #tpu.memory_space<vmem>>
      %dma_start3A_77 = arith.constant 0 : i32
      %dma_start3A_78 = tpu.memref_slice %arg3[%add3A_73, %dma_start3A_77] : memref<32768x1024xf32, #tpu.memory_space<hbm>> -> memref<8x1024xf32, #tpu.memory_space<hbm>>
      %dma_start3A_79 = arith.constant 0 : i32
      %dma_start3A_80 = tpu.memref_slice %arg3[%add3A_73, %dma_start3A_79] : memref<32768x1024xf32, #tpu.memory_space<hbm>> -> memref<8x1024xf32, #tpu.memory_space<hbm>>
      %dma_start3A_81 = arith.constant 0 : i32
      %dma_start3A_82 = arith.constant 0 : i32
      %dma_start3A_83 = tpu.memref_slice %run_scoped3A[%dma_start3A_81, %dma_start3A_82] : memref<8x1024xf32, #tpu.memory_space<vmem>> -> memref<8x1024xf32, #tpu.memory_space<vmem>>
      tpu.enqueue_dma source(%dma_start3A_83 : memref<8x1024xf32, #tpu.memory_space<vmem>>) target(%dma_start3A_80 : memref<8x1024xf32, #tpu.memory_space<hbm>>) target_semaphore(%run_scoped3A_6 : memref<!tpu.dma_semaphore, #tpu.memory_space<semaphore_mem>>)
      %dma_wait3A_84 = arith.constant 0 : i32
      %dma_wait3A_85 = arith.constant 0 : i32
      %dma_wait3A_86 = tpu.memref_slice %run_scoped3A[%dma_wait3A_84, %dma_wait3A_85] : memref<8x1024xf32, #tpu.memory_space<vmem>> -> memref<8x1024xf32, #tpu.memory_space<vmem>>
      %dma_wait3A_87 = arith.constant 0 : i32
      %dma_wait3A_88 = tpu.memref_slice %arg3[%add3A_31, %dma_wait3A_87] : memref<32768x1024xf32, #tpu.memory_space<hbm>> -> memref<8x1024xf32, #tpu.memory_space<hbm>>
      %dma_wait3A_89 = arith.constant 0 : i32
      %dma_wait3A_90 = tpu.memref_slice %arg3[%add3A_31, %dma_wait3A_89] : memref<32768x1024xf32, #tpu.memory_space<hbm>> -> memref<8x1024xf32, #tpu.memory_space<hbm>>
      %dma_wait3A_91 = arith.constant 0 : i32
      %dma_wait3A_92 = arith.constant 0 : i32
      %dma_wait3A_93 = tpu.memref_slice %run_scoped3A[%dma_wait3A_91, %dma_wait3A_92] : memref<8x1024xf32, #tpu.memory_space<vmem>> -> memref<8x1024xf32, #tpu.memory_space<vmem>>
      tpu.wait_dma2 semaphore(%run_scoped3A_6 : memref<!tpu.dma_semaphore, #tpu.memory_space<semaphore_mem>>) src(%dma_wait3A_93 : memref<8x1024xf32, #tpu.memory_space<vmem>>) dst(%dma_wait3A_90 : memref<8x1024xf32, #tpu.memory_space<hbm>>)
      %dma_wait3A_94 = arith.constant 0 : i32
      %dma_wait3A_95 = arith.constant 0 : i32
      %dma_wait3A_96 = tpu.memref_slice %run_scoped3A[%dma_wait3A_94, %dma_wait3A_95] : memref<8x1024xf32, #tpu.memory_space<vmem>> -> memref<8x1024xf32, #tpu.memory_space<vmem>>
      %dma_wait3A_97 = arith.constant 0 : i32
      %dma_wait3A_98 = tpu.memref_slice %arg3[%add3A_45, %dma_wait3A_97] : memref<32768x1024xf32, #tpu.memory_space<hbm>> -> memref<8x1024xf32, #tpu.memory_space<hbm>>
      %dma_wait3A_99 = arith.constant 0 : i32
      %dma_wait3A_100 = tpu.memref_slice %arg3[%add3A_45, %dma_wait3A_99] : memref<32768x1024xf32, #tpu.memory_space<hbm>> -> memref<8x1024xf32, #tpu.memory_space<hbm>>
      %dma_wait3A_101 = arith.constant 0 : i32
      %dma_wait3A_102 = arith.constant 0 : i32
      %dma_wait3A_103 = tpu.memref_slice %run_scoped3A[%dma_wait3A_101, %dma_wait3A_102] : memref<8x1024xf32, #tpu.memory_space<vmem>> -> memref<8x1024xf32, #tpu.memory_space<vmem>>
      tpu.wait_dma2 semaphore(%run_scoped3A_6 : memref<!tpu.dma_semaphore, #tpu.memory_space<semaphore_mem>>) src(%dma_wait3A_103 : memref<8x1024xf32, #tpu.memory_space<vmem>>) dst(%dma_wait3A_100 : memref<8x1024xf32, #tpu.memory_space<hbm>>)
      %dma_wait3A_104 = arith.constant 0 : i32
      %dma_wait3A_105 = arith.constant 0 : i32
      %dma_wait3A_106 = tpu.memref_slice %run_scoped3A[%dma_wait3A_104, %dma_wait3A_105] : memref<8x1024xf32, #tpu.memory_space<vmem>> -> memref<8x1024xf32, #tpu.memory_space<vmem>>
      %dma_wait3A_107 = arith.constant 0 : i32
      %dma_wait3A_108 = tpu.memref_slice %arg3[%add3A_59, %dma_wait3A_107] : memref<32768x1024xf32, #tpu.memory_space<hbm>> -> memref<8x1024xf32, #tpu.memory_space<hbm>>
      %dma_wait3A_109 = arith.constant 0 : i32
      %dma_wait3A_110 = tpu.memref_slice %arg3[%add3A_59, %dma_wait3A_109] : memref<32768x1024xf32, #tpu.memory_space<hbm>> -> memref<8x1024xf32, #tpu.memory_space<hbm>>
      %dma_wait3A_111 = arith.constant 0 : i32
      %dma_wait3A_112 = arith.constant 0 : i32
      %dma_wait3A_113 = tpu.memref_slice %run_scoped3A[%dma_wait3A_111, %dma_wait3A_112] : memref<8x1024xf32, #tpu.memory_space<vmem>> -> memref<8x1024xf32, #tpu.memory_space<vmem>>
      tpu.wait_dma2 semaphore(%run_scoped3A_6 : memref<!tpu.dma_semaphore, #tpu.memory_space<semaphore_mem>>) src(%dma_wait3A_113 : memref<8x1024xf32, #tpu.memory_space<vmem>>) dst(%dma_wait3A_110 : memref<8x1024xf32, #tpu.memory_space<hbm>>)
      %dma_wait3A_114 = arith.constant 0 : i32
      %dma_wait3A_115 = arith.constant 0 : i32
      %dma_wait3A_116 = tpu.memref_slice %run_scoped3A[%dma_wait3A_114, %dma_wait3A_115] : memref<8x1024xf32, #tpu.memory_space<vmem>> -> memref<8x1024xf32, #tpu.memory_space<vmem>>
      %dma_wait3A_117 = arith.constant 0 : i32
      %dma_wait3A_118 = tpu.memref_slice %arg3[%add3A_73, %dma_wait3A_117] : memref<32768x1024xf32, #tpu.memory_space<hbm>> -> memref<8x1024xf32, #tpu.memory_space<hbm>>
      %dma_wait3A_119 = arith.constant 0 : i32
      %dma_wait3A_120 = tpu.memref_slice %arg3[%add3A_73, %dma_wait3A_119] : memref<32768x1024xf32, #tpu.memory_space<hbm>> -> memref<8x1024xf32, #tpu.memory_space<hbm>>
      %dma_wait3A_121 = arith.constant 0 : i32
      %dma_wait3A_122 = arith.constant 0 : i32
      %dma_wait3A_123 = tpu.memref_slice %run_scoped3A[%dma_wait3A_121, %dma_wait3A_122] : memref<8x1024xf32, #tpu.memory_space<vmem>> -> memref<8x1024xf32, #tpu.memory_space<vmem>>
      tpu.wait_dma2 semaphore(%run_scoped3A_6 : memref<!tpu.dma_semaphore, #tpu.memory_space<semaphore_mem>>) src(%dma_wait3A_123 : memref<8x1024xf32, #tpu.memory_space<vmem>>) dst(%dma_wait3A_120 : memref<8x1024xf32, #tpu.memory_space<hbm>>)
      tpu.yield
    }) : () -> ()
    return
  }
}

</mosaic_0001>

<sc_bundles>
// kernel: kernel.3.cloned.1.call-start
scs
__scs_entry_jumppad:
0x0: {  	(pc) =	sbr.rel $0x88, $3  }
0x1: {  	(tag) =	ssettag $0x0;
	lr =	simm.s32 $0x1  }
0x2: {  	[smem:$0x3FA0] =	sst lr;
	_ =	strace $0xD0000000  }
0x3: {  	_ = 	snop  }
0x4: {  	_ = 	snop  }
0x5: {  	_ = 	snop  }
0x6: {  	_ = 	snop  }
0x7: {  	_ = 	snop  }
__scs_overlays_trampoline_lowered:
0x8: {  	[smem:$0x3FAF] =	sst s0  }
0x9: {  	[smem:$0x3FB0] =	sst s1  }
0xa: {  	[smem:$0x3FB1] =	sst s2  }
0xb: {  	[smem:$0x3FB2] =	sst s3  }
0xc: {  	[smem:$0x3FB3] =	sst s4  }
0xd: {  	[smem:$0x3FB4] =	sst s5  }
0xe: {  	[smem:$0x3FB5] =	sst s6  }
0xf: {  	[smem:$0x3FB6] =	sst s7  }
0x10: {  	[smem:$0x3FB7] =	sst s8  }
0x11: {  	[smem:$0x3FB8] =	sst s9;
	s0 =	simm.s32 @!p0 $0x0  }
0x12: {  	s1 =	sld [smem:$0x3F9E];
	s0 =	simm.s32 @p0 $0x1  }
0x13: {  	[smem:$0x3FB9] =	sst s0;
	s0 =	simm.s32 @!p1 $0x0  }
0x14: {  	s2 =	sld [smem:$0x3F9D];
	s0 =	simm.s32 @p1 $0x1  }
0x15: {  	[smem:$0x3FBA] =	sst s0;
	s0 =	simm.s32 @!p2 $0x0  }
0x16: {  	s3 =	sld [smem:$0x3FDB];
	s0 =	simm.s32 @p2 $0x1  }
0x17: {  	s4 =	simm.s32 $0x1BF5;
	[smem:$0x3FBC] =	sst s0  }
0x18: {  	s0 =	sld [smem:$0x3F9F];
	_ =	swait.ge [sflag:s4], $0x0  }
0x19: {  	s7 =	sld [smem:$0x3FA0]  }
0x1a: {  	s8 =	sadd.s32 $0xFFFFE003, lr  }
0x1b: {  	s9 =	sadd.s32 $0xFFFFFEF7, lr;
	s5 =	simm.s32 $0xFFFFFFFF;
	p2 =	slt.u32 s8, $0xFFFFF086  }
0x1c: {  	p1 =	slt.u32 s9, $0xF7A;
	s5 =	simm.s32 @!p2 $0x0  }
0x1d: {  	s5 =	simm.s32 @p1 $0x1;
	p0 =	seq.s32 s7, s2  }
0x1e: {  	s7 =	smul.u32 @!p0 $0xF7A, s2;
	p2 =	seq.s32 @!p0 s5, $0x0  }
0x1f: {  	s9 =	smul.u32 $0xF7A, s1;
	s8 =	simm.s32 @!p0 $0x1BF5;
	p2 =	por !p2, p0  }
0x20: {  	[sflag:s8] =	ssyncset.s32 @!p0 $0xFFFFF086;
	s6 =	sadd.s32 @!p0 s3, s7;
	s7 =	simm.s32 @!p0 $0x108  }
0x21: {  	s3 =	sadd.s32 s3, s9;
	s6 =	sadd.s32 @!p0 $0x88, s6;
	s7 =	simm.s32 @p2 $0x1082  }
0x22: {  	[simem:s7], [sflag:s8] =	dma.local @!p0 [hbm:s6], $0xF7A  }
0x23: {  	s9 =	sor.u32 $0xD0000000, s2;
	s6 =	simm.s32 $0x108;
	_ =	swait.ge @!p0 [sflag:s8], $0x0  }
0x24: {  	s3 =	sadd.s32 $0x88, s3;
	s6 =	simm.s32 @!p1 $0x1082;
	[sflag:s4] =	ssyncset.s32 $0xFFFFF086  }
0x25: {  	[simem:s6], [sflag:s4] =	dma.local [hbm:s3], $0xF7A  }
0x26: {  	[smem:$0x3FA0] =	sst s1;
	(tag) =	ssettag s2;
	_ =	strace s9  }
0x27: {  	s1 =	sld [smem:$0x3FB0]  }
0x28: {  	s2 =	sld [smem:$0x3FB1]  }
0x29: {  	s4 =	sld [smem:$0x3FB3]  }
0x2a: {  	p0 =	seq.s32 s5, $0x0;
	s5 =	sld [smem:$0x3FB4]  }
0x2b: {  	s6 =	sld [smem:$0x3FB5]  }
0x2c: {  	s7 =	sld [smem:$0x3FB6]  }
0x2d: {  	s3 =	simm.s32 $0x108;
	s8 =	sld [smem:$0x3FB7]  }
0x2e: {  	s3 =	simm.s32 @!p0 $0x1082;
	s9 =	sld [smem:$0x3FB8]  }
0x2f: {  	lr =	sadd.s32 s0, s3;
	s0 =	sld [smem:$0x3FAF]  }
0x30: {  	s3 =	sld [smem:$0x3FB2]  }
0x31: {  	[smem:$0x3FBB] =	sst s10  }
0x32: {  	s10 =	sld [smem:$0x3FB9];
	_ =	sdelay $0x3  }
0x33: {  	p0 =	seq.s32 s10, $0x1;
	s10 =	sld [smem:$0x3FBB];
	_ =	sdelay $0x3  }
0x34: {  	[smem:$0x3FBB] =	sst s10  }
0x35: {  	s10 =	sld [smem:$0x3FBA];
	_ =	sdelay $0x3  }
0x36: {  	p1 =	seq.s32 s10, $0x1;
	s10 =	sld [smem:$0x3FBB];
	_ =	sdelay $0x3  }
0x37: {  	[smem:$0x3FBB] =	sst s10  }
0x38: {  	s10 =	sld [smem:$0x3FBC]  }
0x39: {  	_ = 	snop;
	(pc) =	sbr.ind lr, $3  }
0x3a: {  	_ = 	snop  }
0x3b: {  	_ = 	snop  }
0x3c: {  	p2 =	seq.s32 s10, $0x1;
	s10 =	sld [smem:$0x3FBB]  }
0x3d: {  	_ =	shalt  }
0x3e: {  	_ =	shalt  }
0x3f: {  	_ =	shalt  }
0x40: {  	_ =	shalt  }
0x41: {  	_ =	shalt  }
0x42: {  	_ =	shalt  }
0x43: {  	_ =	shalt  }
0x44: {  	_ =	shalt  }
0x45: {  	_ =	shalt  }
0x46: {  	_ =	shalt  }
0x47: {  	_ =	shalt  }
0x48: {  	_ =	shalt  }
0x49: {  	_ =	shalt  }
0x4a: {  	_ =	shalt  }
0x4b: {  	_ =	shalt  }
0x4c: {  	_ =	shalt  }
0x4d: {  	_ =	shalt  }
0x4e: {  	_ =	shalt  }
0x4f: {  	_ =	shalt  }
0x50: {  	_ =	shalt  }
0x51: {  	_ =	shalt  }
0x52: {  	_ =	shalt  }
0x53: {  	_ =	shalt  }
0x54: {  	_ =	shalt  }
0x55: {  	_ =	shalt  }
0x56: {  	_ =	shalt  }
0x57: {  	_ =	shalt  }
0x58: {  	_ =	shalt  }
0x59: {  	_ =	shalt  }
0x5a: {  	_ =	shalt  }
0x5b: {  	_ =	shalt  }
0x5c: {  	_ =	shalt  }
0x5d: {  	_ =	shalt  }
0x5e: {  	_ =	shalt  }
0x5f: {  	_ =	shalt  }
0x60: {  	_ =	shalt  }
0x61: {  	_ =	shalt  }
0x62: {  	_ =	shalt  }
0x63: {  	_ =	shalt  }
0x64: {  	_ =	shalt  }
0x65: {  	_ =	shalt  }
0x66: {  	_ =	shalt  }
0x67: {  	_ =	shalt  }
0x68: {  	_ =	shalt  }
0x69: {  	_ =	shalt  }
0x6a: {  	_ =	shalt  }
0x6b: {  	_ =	shalt  }
0x6c: {  	_ =	shalt  }
0x6d: {  	_ =	shalt  }
0x6e: {  	_ =	shalt  }
0x6f: {  	_ =	shalt  }
0x70: {  	_ =	shalt  }
0x71: {  	_ =	shalt  }
0x72: {  	_ =	shalt  }
0x73: {  	_ =	shalt  }
0x74: {  	_ =	shalt  }
0x75: {  	_ =	shalt  }
0x76: {  	_ =	shalt  }
0x77: {  	_ =	shalt  }
0x78: {  	_ =	shalt  }
0x79: {  	_ =	shalt  }
0x7a: {  	_ =	shalt  }
0x7b: {  	_ =	shalt  }
0x7c: {  	_ =	shalt  }
0x7d: {  	_ =	shalt  }
0x7e: {  	_ =	shalt  }
0x7f: {  	_ =	shalt  }
0x80: {  	_ =	shalt  }
0x81: {  	_ =	shalt  }
0x82: {  	_ =	shalt  }
0x83: {  	_ =	shalt  }
0x84: {  	_ =	shalt  }
0x85: {  	_ =	shalt  }
0x86: {  	_ =	shalt  }
0x87: {  	_ =	shalt  }
.Lfunc_end0:
.L_simem_size_0:
called_computation_lowered:
.L_overlay_start_0:
0x88: {  	s1 =	sld [smem:$0x3FD9]  }
0x89: {  	s3 =	sld [smem:$0x3FFE];
	_ =	sdelay $0x1  }
0x8a: {  	s2 =	srdreg.scid  }
0x8b: {  	s0 =	sand.u32 $0x1, s2  }
0x8c: {  	s15 =	sshll.u32 s0, $0xA;
	s1 =	sadd.s32 s3, s1  }
0x8d: {  	s1 =	sadd.s32 s1, s15  }
0x8e: {  	s17 =	simm.s32 $0x0;
	[smem:$0x3FC7] =	sst s1  }
0x8f: {  	[smem:$0xF] =	sst s17  }
0x90: {  	s16 =	sld [smem:$0x3FC9]  }
0x91: {  	s4 =	sld [smem:$0x3FD0];
	(tm) =	ssettm $0x1  }
0x92: {  	s5 =	sld [smem:$0x3FFB];
	_ =	sdelay $0x3  }
0x93: {  	_ =	strace s5  }
0x94: {  	s5 =	sld [smem:$0x3FFC];
	_ =	sdelay $0x3  }
0x95: {  	_ =	strace s5  }
0x96: {  	s5 =	sld [smem:$0x3FFD];
	_ =	sdelay $0x3  }
0x97: {  	_ =	strace s5  }
0x98: {  	_ =	strace $0x8FFFFFFF  }
0x99: {  	s18 =	sld [smem:$0x3FDB];
	_ =	sdelay $0x2  }
0x9a: {  	s6 =	simm.s32 $_scs_section_size;
	s7 =	simm.s32 $_tile_overlayer_lowered  }
0x9b: {  	s19 =	simm.s32 $_size__tile_overlayer_lowered;
	s7 =	sshll.u32 s7, $0x1;
	s5 =	sadd.s32 s6, s18  }
0x9c: {  	s8 =	simm.s32 $0x1BFF;
	s6 =	sshll.u32 s19, $0x1;
	s7 =	sadd.s32 s7, s5  }
0x9d: {  	[timem:s17], [sflag:s8] =	dma.local [hbm:s7], s6  }
0x9e: {  	_ =	swait.ge [sflag:s8], s6  }
0x9f: {  	s6 =	ssub.s32 $0x0, s6;
	[sflag:s8] =	ssyncset.done $0x0  }
0xa0: {  	[sflag:s8] =	ssyncadd.s32 s6;
	_ =	sdelay $0x1  }
0xa1: {  	s20 =	simm.s32 $0x1B8B  }
0xa2: {  	_ =	swait.ge [sflag:s20], $0x1  }
0xa3: {  	[sflag:s20] =	ssyncset.done $0x0  }
0xa4: {  	s21 =	simm.s32 $0x1B8E;
	[sflag:s20] =	ssyncadd.s32 $0xFFFFFFFF  }
0xa5: {  	s22 =	simm.s32 $execute0_lowered;
	[smem:$0x3FD2] =	sst s21  }
0xa6: {  	s6 =	sshll.u32 s22, $0x1;
	_ =	strace $0x80000046;
	[dreg:$0x1] =	wrdreg $0xFFFFFFFF  }
0xa7: {  	s23 =	simm.s32 $_size_execute0_lowered;
	s5 =	sadd.s32 s5, s6;
	[dreg:$0x0] =	wrdreg $0x0  }
0xa8: {  	s6 =	sshll.u32 s23, $0x1;
	[dreg:$0x2] =	wrdreg s5  }
0xa9: {  	[dreg:$0x3] =	wrdreg s6  }
0xaa: {  	[dreg:$0x4] =	wrdreg $0xC0  }
0xab: {  	_ =	task [dreg:s17], $0x5FFFF  }
0xac: {  	s24 =	smul.u32 $0x3E0000, s0;
	[dreg:$0x1] =	wrdreg $0xFFFFFFFF  }
0xad: {  	[dreg:$0x0] =	wrdreg $0x60  }
0xae: {  	s5 =	sshrl.u32 s24, $0x3;
	[dreg:$0x2] =	wrdreg s16  }
0xaf: {  	s25 =	sadd.s32 $0x8000, s5;
	[dreg:$0x3] =	wrdreg s4  }
0xb0: {  	s26 =	simm.s32 $0xA;
	s3 =	sadd.s32 s25, s16;
	[dreg:$0x4] =	wrdreg $0x9  }
0xb1: {  	s6 =	sadd.s32 s25, s4;
	s4 =	sadd.s32 s4, s5;
	_ =	task.clear_ibuf [dreg:s17], $0x5FFFF  }
0xb2: {  	[hbm:s6], [sflag:s26] =	dma.local [hbm:s3], $0x7C000  }
0xb3: {  	s5 =	sadd.s32 $0x108000, s4;
	s28 =	sadd.s32 $0x208000, s4;
	s4 =	sadd.s32 $0x308000, s4  }
0xb4: {  	[hbm:s5], [sflag:s26] =	dma.local [hbm:s3], $0x7C000  }
0xb5: {  	[hbm:s28], [sflag:s26] =	dma.local [hbm:s3], $0x7C000  }
0xb6: {  	[hbm:s4], [sflag:s26] =	dma.local [hbm:s3], $0x7C000  }
0xb7: {  	_ =	swait.ge [sflag:s26], $0x7C000  }
0xb8: {  	[sflag:s26] =	ssyncset.done $0x0  }
0xb9: {  	[sflag:s26] =	ssyncadd.s32 $0xFFF84000;
	_ =	sdelay $0x2  }
0xba: {  	_ =	swait.ge [sflag:s26], $0x7C000  }
0xbb: {  	[sflag:s26] =	ssyncset.done $0x0  }
0xbc: {  	[sflag:s26] =	ssyncadd.s32 $0xFFF84000;
	_ =	sdelay $0x2  }
0xbd: {  	_ =	swait.ge [sflag:s26], $0x7C000  }
0xbe: {  	[sflag:s26] =	ssyncset.done $0x0  }
0xbf: {  	[sflag:s26] =	ssyncadd.s32 $0xFFF84000;
	_ =	sdelay $0x2  }
0xc0: {  	_ =	swait.ge [sflag:s26], $0x7C000  }
0xc1: {  	[sflag:s26] =	ssyncset.done $0x0  }
0xc2: {  	[sflag:s26] =	ssyncadd.s32 $0xFFF84000  }
0xc3: {  	_ =	strace $0x90000046  }
0xc4: {  	s29 =	simm.s32 $0x9;
	_ =	strace $0x80000048  }
0xc5: {  	_ =	swait.ge [sflag:s29], $0x1  }
0xc6: {  	[sflag:s29] =	ssyncadd.s32 $0xFFFFFFFF  }
0xc7: {  	_ =	strace $0x90000048  }
0xc8: {  	_ =	sfence  }
0xc9: {  	s30 =	sld [smem:$0x0];
	_ =	sdelay $0x2  }
0xca: {  	s31 =	sshll.u32 s2, $0xD;
	s2 =	sshrl.u32 s2, $0x2  }
0xcb: {  	s4 =	sand.u32 $0x4000, s31;
	s2 =	sadd.s32 s2, s30  }
0xcc: {  	s0 =	sor.u32 s4, s0;
	s2 =	sshll.u32 s2, $0x11  }
0xcd: {  	s0 =	sor.u32 s2, s0  }
0xce: {  	s0 =	sadd.s32 $0x8F2B, s0  }
0xcf: {  	[sflag:s0] =	ssyncadd.remote.s32 $0x1  }
0xd0: {  	_ =	sfence.sel $0xFFFF  }
0xd1: {  	[dreg:$0x0] =	wrdreg $0xFFFFFFFF;
	(pc) =	sbr.abs _section_cstart, $3  }
0xd2: {  	[dreg:$0x1] =	wrdreg $0xFFFFFFFF  }
0xd3: {  	_ =	task.clear_ibuf [dreg:s17], $0x2FFFF;
	_ =	strace $0x9FFFFFFF  }
0xd4: {  	(tm) =	ssettm $0x7FFFFFFF  }
0xd5: {  	_ =	shalt  }
tec
execute0_lowered:
.L_overlay_start_1:
0x0: {  	(tag) =	ssettag $0x1  }
0x1: {  	s3 =	rddreg [dreg:$0x0]  }
0x2: {  	s5 =	rddreg [dreg:$0x1];
	s2 =	srdreg.scid  }
0x3: {  	s0 =	rddreg [dreg:$0x2];
	s1 =	stileid.u32;
	s10 =	sand.u32 $0x1, s2  }
0x4: {  	s2 =	simm.s32 $0x0;
	s4 =	sshll.u32 s1, $0xB;
	s6 =	sshll.u32 s10, $0xA  }
0x5: {  	[smem:$0x7FF] =	sst s2;
	s6 =	sor.u32 s6, s4  }
0x6: {  	_ =	strace $0x80000047;
	s4 =	simm.s32 $0x1;
	s3 =	sadd.s32 s3, s6  }
0x7: {  	[tilespmem:s2], [sflag:$0x1] =	stream.linear.gather [hbm4b:s3+s2], $0x2000, $0x38;
	[tilespmem:$0x2000] =	vst v63  }
0x8: {  	_ =	swait.ge [sflag:s4], $0x2000  }
0x9: {  	[sflag:s4] =	ssyncset.done $0x0  }
0xa: {  	s5 =	sadd.s32 s5, s6;
	[sflag:s4] =	ssyncadd.s32 $0xFFFFE000  }
0xb: {  	[hbm4b:s5+s2] =	stream.linear.scatter [tilespmem:s2], [sflag:$0x2], $0x2000, $0x38;
	[tilespmem:$0x2000] =	vst v63  }
0xc: {  	s6 =	sadd.s32 $0x100000, s5  }
0xd: {  	[hbm4b:s6+s2] =	stream.linear.scatter [tilespmem:s2], [sflag:$0x2], $0x2000, $0x38;
	[tilespmem:$0x2000] =	vst v63  }
0xe: {  	s7 =	sadd.s32 $0x200000, s5  }
0xf: {  	[hbm4b:s7+s2] =	stream.linear.scatter [tilespmem:s2], [sflag:$0x2], $0x2000, $0x38;
	[tilespmem:$0x2000] =	vst v63  }
0x10: {  	s8 =	simm.s32 $0x2;
	s9 =	sadd.s32 $0x300000, s5  }
0x11: {  	[hbm4b:s9+s2] =	stream.linear.scatter [tilespmem:s2], [sflag:$0x2], $0x2000, $0x38;
	[tilespmem:$0x2000] =	vst v63  }
0x12: {  	_ =	swait.ge [sflag:s8], $0x2000  }
0x13: {  	s10 =	ssub.s32 $0x2, s10;
	[sflag:s8] =	ssyncset.done $0x0  }
0x14: {  	s11 =	sshrl.u32 s10, $0x1;
	[sflag:s8] =	ssyncadd.s32 $0xFFFFE000  }
0x15: {  	s10 =	ssub.s32 s10, s11;
	_ =	swait.ge [sflag:s8], $0x2000  }
0x16: {  	s10 =	smax.u32 s10, $0x1;
	[sflag:s8] =	ssyncset.done $0x0  }
0x17: {  	p0 =	sne.s32 s10, $0x1;
	[sflag:s8] =	ssyncadd.s32 $0xFFFFE000  }
.Ltmp0:
0x18: {  	_ =	swait.ge [sflag:s8], $0x2000;
	(pc) =	sbr.rel @!p0 .LBB2_2-.Ltmp0, $4  }
0x19: {  	[sflag:s8] =	ssyncset.done $0x0  }
0x1a: {  	[sflag:s8] =	ssyncadd.s32 $0xFFFFE000  }
0x1b: {  	_ =	swait.ge [sflag:s8], $0x2000  }
0x1c: {  	s10 =	sadd.s32 $0xFFFFFFFF, s10;
	[sflag:s8] =	ssyncset.done $0x0  }
.LBB2_1:
0x1d: {  	p0 =	sne.s32 s10, $0x1;
	s10 =	sadd.s32 $0xFFFFFFFF, s10;
	[sflag:s8] =	ssyncadd.s32 $0xFFFFE000  }
0x1e: {  	[tilespmem:s2], [sflag:$0x1] =	stream.linear.gather [hbm4b:s3+s2], $0x2000, $0x38;
	[tilespmem:$0x2000] =	vst v63  }
0x1f: {  	_ =	swait.ge [sflag:s4], $0x2000  }
0x20: {  	[sflag:s4] =	ssyncset.done $0x0  }
0x21: {  	[sflag:s4] =	ssyncadd.s32 $0xFFFFE000  }
0x22: {  	[hbm4b:s5+s2] =	stream.linear.scatter [tilespmem:s2], [sflag:$0x2], $0x2000, $0x38;
	[tilespmem:$0x2000] =	vst v63  }
0x23: {  	_ = 	snop  }
0x24: {  	[hbm4b:s6+s2] =	stream.linear.scatter [tilespmem:s2], [sflag:$0x2], $0x2000, $0x38;
	[tilespmem:$0x2000] =	vst v63  }
0x25: {  	_ = 	snop  }
0x26: {  	[hbm4b:s7+s2] =	stream.linear.scatter [tilespmem:s2], [sflag:$0x2], $0x2000, $0x38;
	[tilespmem:$0x2000] =	vst v63  }
0x27: {  	_ = 	snop  }
0x28: {  	[hbm4b:s9+s2] =	stream.linear.scatter [tilespmem:s2], [sflag:$0x2], $0x2000, $0x38;
	[tilespmem:$0x2000] =	vst v63  }
0x29: {  	_ =	swait.ge [sflag:s8], $0x2000  }
0x2a: {  	[sflag:s8] =	ssyncset.done $0x0  }
0x2b: {  	[sflag:s8] =	ssyncadd.s32 $0xFFFFE000  }
0x2c: {  	_ =	swait.ge [sflag:s8], $0x2000  }
0x2d: {  	[sflag:s8] =	ssyncset.done $0x0  }
0x2e: {  	[sflag:s8] =	ssyncadd.s32 $0xFFFFE000  }
.Ltmp1:
0x2f: {  	_ =	swait.ge [sflag:s8], $0x2000;
	(pc) =	sbr.rel @p0 .LBB2_1-.Ltmp1, $4  }
0x30: {  	[sflag:s8] =	ssyncset.done $0x0  }
0x31: {  	[sflag:s8] =	ssyncadd.s32 $0xFFFFE000  }
0x32: {  	_ =	swait.ge [sflag:s8], $0x2000  }
0x33: {  	[sflag:s8] =	ssyncset.done $0x0  }
.LBB2_2:
0x34: {  	[sflag:s8] =	ssyncadd.s32 $0xFFFFE000  }
0x35: {  	_ =	sfence.sel $0x180000  }
0x36: {  	[bflag:$0x0] =	sbarrier.arrive $0xFFFF  }
0x37: {  	p0 =	sne.s32 s1, $0x0;
	_ =	strace $0x90000047  }
0x38: {  	s0 =	sadd.s32 @!p0 $0x100000, s0;
	[bflag:$0x2] =	sbarrier.arrive $0xFFFF  }
0x39: {  	[sflag:s0] =	ssyncadd.tile.s32 @!p0 $0x1;
	_ =	shalt  }
.Lfunc_end2:
_tile_overlayer_lowered:
.L_overlay_start_2:
0x3a: {  	(tag) =	ssettag $0x2  }
0x3b: {  	s0 =	rddreg [dreg:$0x0];
	s2 =	stileid.u32  }
0x3c: {  	s1 =	rddreg [dreg:$0x1];
	p0 =	sne.s32 s2, $0x0  }
0x3d: {  	s3 =	rddreg [dreg:$0x2];
	[bflag:$0x3] =	sbarrier.arrive $0xFFFF;
	s2 =	simm.s32 @!p0 $0x1C01  }
0x3e: {  	[timem:s3], [sflag:s2] =	dma.local @!p0 [hbm:s0], s1  }
0x3f: {  	s0 =	simm.s32 @!p0 $0x1  }
0x40: {  	_ =	swait.ge @!p0 [sflag:s0], s1  }
0x41: {  	s1 =	ssub.s32 @!p0 $0x0, s1;
	[sflag:s0] =	ssyncset.done @!p0 $0x0  }
0x42: {  	[sflag:s0] =	ssyncadd.s32 @!p0 s1  }
0x43: {  	[bflag:$0x3] =	sbarrier.arrive $0xFFFF  }
0x44: {  	_ =	shalt  }

</sc_bundles>
